<compile_context>
chip_gen: v7x
topology: tpu7x:2x2x1
jax: 0.10.2.dev20260603
libtpu: 0.0.44.dev20260713+nightly
codegen_flags: <defaults>
</compile_context>

<pallas_src>
import jax
import jax.numpy as jnp
from jax import lax
from jax.experimental import pallas as pl
from jax.experimental.pallas import tpu as pltpu
from jax.experimental.pallas import tpu_sc as plsc

_L = 16
_CTX = 2048
_LAYERS = 2
_BATCH = 8


def _sc_kv_fetch(si_hbm, li_hbm, ks_hbm, vs_hbm, kc_hbm, vc_hbm,
                 ko_hbm, vo_hbm, pvm, slab, sem_p, sem_s):
    wid = lax.axis_index("s")
    b = jnp.where(wid < _BATCH, wid, wid - _BATCH)
    is_k = wid < _BATCH

    @pl.when(is_k)
    def _():
        pltpu.async_copy(ks_hbm.at[b, 0], slab, sem_s)

    @pl.when(jnp.logical_not(is_k))
    def _():
        pltpu.async_copy(vs_hbm.at[b, 0], slab, sem_s)

    c1 = pltpu.async_copy(si_hbm, pvm.at[pl.ds(0, 2)], sem_p)
    c2 = pltpu.async_copy(li_hbm, pvm.at[pl.ds(8, 1)], sem_p)
    c1.wait()
    c2.wait()
    v = pvm[pl.ds(0, _L)]
    begin_raw = v[0]
    end_raw = v[1]
    li_raw = v[8]
    li = jnp.clip(li_raw + jnp.where(li_raw < 0, _LAYERS, 0), 0, _LAYERS - 1)
    begin = jnp.clip(
        begin_raw + jnp.where(begin_raw < 0, _CTX, 0), 0, _CTX - 1)
    e1 = end_raw - 1
    p = jnp.clip(e1 + jnp.where(e1 < 0, _CTX, 0), 0, _CTX - 1)
    hit = p == begin

    pltpu.make_async_copy(ks_hbm.at[0, 0], slab, sem_s).wait()

    @pl.when(is_k & jnp.logical_not(hit))
    def _():
        pltpu.sync_copy(kc_hbm.at[li, b, p], slab)

    @pl.when(jnp.logical_not(is_k) & jnp.logical_not(hit))
    def _():
        pltpu.sync_copy(vc_hbm.at[li, b, p], slab)

    @pl.when(is_k)
    def _():
        pltpu.sync_copy(slab, ko_hbm.at[b, 0])

    @pl.when(jnp.logical_not(is_k))
    def _():
        pltpu.sync_copy(slab, vo_hbm.at[b, 0])


def kernel(k_state, v_state, layer_idx, slice_indices, k_cache, v_cache):
    si = slice_indices.astype(jnp.int32)
    li = jnp.asarray(layer_idx, jnp.int32).reshape(1)

    out_sds = jax.ShapeDtypeStruct(k_state.shape, k_state.dtype)
    mesh = plsc.VectorSubcoreMesh(
        core_axis_name="c", subcore_axis_name="s", num_cores=1)
    run = pl.kernel(
        _sc_kv_fetch,
        mesh=mesh,
        out_type=(out_sds, out_sds),
        scratch_types=[
            pltpu.VMEM((_L,), jnp.int32),
            pltpu.VMEM((_BATCH, 128), jnp.float32),
            pltpu.SemaphoreType.DMA,
            pltpu.SemaphoreType.DMA,
        ],
    )
    k_out, v_out = run(si, li, k_state, v_state, k_cache, v_cache)
    return (k_out, v_out)

# --- scband reference (transcript-rebuilt; emitter-appended) ---
"""Pipeline reference for scband-kvcache-83537113907738 (READ-ONLY COPY).

The authoritative reference and input builder live on the scoring server;
editing this copy changes nothing except your own understanding.
"""

import jax, jax.numpy as jnp
import numpy as np

CACHE_SHAPE = (2, 8, 2048, 8, 128)


def setup_inputs(seed: int = 0) -> dict:
    key = jax.random.key(seed)
    k1, k2 = jax.random.split(key)
    k_state = jax.random.normal(k1, (8, 1, 8, 128), dtype=jnp.float32)
    v_state = jax.random.normal(k2, (8, 1, 8, 128), dtype=jnp.float32)
    return {
        "k_state": k_state,
        "v_state": v_state,
        "layer_idx": 1,
        "slice_indices": jnp.arange(2, dtype=jnp.int32),
        "k_cache": jnp.zeros(CACHE_SHAPE, dtype=jnp.float32),
        "v_cache": jnp.zeros(CACHE_SHAPE, dtype=jnp.float32),
    }


def reference(k_state, v_state, layer_idx, slice_indices, k_cache, v_cache):
    # Faithful translation of KVCache.update_and_fetch.
    if slice_indices.shape[0] != 2:
        raise ValueError("Expect tuple of integers [start, end).")
    begin = slice_indices[0]
    end = slice_indices[1]
    li = layer_idx
    seg = k_state.shape[1]
    # scatter-overwrite into the cache slice [begin, end) along the context dim
    k_cache = jax.lax.dynamic_update_slice(
        k_cache, k_state.astype(k_cache.dtype)[None], (li, 0, begin, 0, 0)
    )
    v_cache = jax.lax.dynamic_update_slice(
        v_cache, v_state.astype(v_cache.dtype)[None], (li, 0, begin, 0, 0)
    )
    # gather prefix [0, end)
    k_out = jax.lax.dynamic_slice(
        k_cache,
        (li, 0, end - seg, 0, 0),
        (1, k_cache.shape[1], seg, k_cache.shape[3], k_cache.shape[4]),
    )[0].astype(k_state.dtype)
    v_out = jax.lax.dynamic_slice(
        v_cache,
        (li, 0, end - seg, 0, 0),
        (1, v_cache.shape[1], seg, v_cache.shape[3], v_cache.shape[4]),
    )[0].astype(v_state.dtype)
    return (k_out, v_out)

if __name__ == "__main__":
    import jax
    _d = setup_inputs()
    print(jax.jit(kernel)(*tuple(_d.values())))

</pallas_src>

<mosaic_0001>
#map = affine_map<(d0, d1) -> (0)>
#map1 = affine_map<(d0, d1) -> (0, 0, 0, 0)>
#map2 = affine_map<(d0, d1) -> (0, 0, 0, 0, 0)>
module attributes {stable_mosaic.version = 14 : i64} {
  func.func @_sc_kv_fetch(%arg0: i32, %arg1: i32, %arg2: memref<2xi32, #tpu.memory_space<hbm>>, %arg3: memref<1xi32, #tpu.memory_space<hbm>>, %arg4: memref<8x1x8x128xf32, #tpu.memory_space<hbm>>, %arg5: memref<8x1x8x128xf32, #tpu.memory_space<hbm>>, %arg6: memref<2x8x2048x8x128xf32, #tpu.memory_space<hbm>>, %arg7: memref<2x8x2048x8x128xf32, #tpu.memory_space<hbm>>, %arg8: memref<8x1x8x128xf32, #tpu.memory_space<hbm>>, %arg9: memref<8x1x8x128xf32, #tpu.memory_space<hbm>>, %arg10: memref<16xi32, #tpu.memory_space<vmem>>, %arg11: memref<8x128xf32, #tpu.memory_space<vmem>>, %arg12: memref<!tpu.dma_semaphore, #tpu.memory_space<semaphore_mem>>, %arg13: memref<!tpu.dma_semaphore, #tpu.memory_space<semaphore_mem>>) attributes {dimension_semantics = [#tpu.dimension_semantics<core_parallel>, #tpu.dimension_semantics<subcore_parallel>], iteration_bounds = array<i64: 1, 16>, scalar_prefetch = 0 : i64, scratch_operands = 4 : i64, tpu.core_type = #tpu.core_type<sc_vector_subcore>, window_params = [{transform_indices = #map}, {transform_indices = #map}, {transform_indices = #map1}, {transform_indices = #map1}, {transform_indices = #map2}, {transform_indices = #map2}, {transform_indices = #map1}, {transform_indices = #map1}]} {
    %lt3A = arith.constant 8 : i32
    %lt3A_0 = arith.cmpi slt, %arg1, %lt3A : i32
    %sub3A = arith.constant 8 : i32
    %sub3A_1 = arith.subi %arg1, %sub3A : i32
    %select_n3A = arith.select %lt3A_0, %arg1, %sub3A_1 : i32
    %lt3A_2 = arith.constant 8 : i32
    %lt3A_3 = arith.cmpi slt, %arg1, %lt3A_2 : i32
    %convert_element_type3A = arith.extui %lt3A_3 : i1 to i32
    %cond3A = arith.constant 0 : i32
    %cond3A_4 = arith.cmpi ne, %convert_element_type3A, %cond3A : i32
    scf.if %cond3A_4 {
      %dma_start3A_88 = arith.constant 0 : i32
      %dma_start3A_89 = arith.constant 0 : i32
      %dma_start3A_90 = arith.constant 0 : i32
      %dma_start3A_91 = tpu.memref_slice %arg4[%select_n3A, %dma_start3A_88, %dma_start3A_89, %dma_start3A_90] : memref<8x1x8x128xf32, #tpu.memory_space<hbm>> -> memref<1x1x8x128xf32, #tpu.memory_space<hbm>>
      %dma_start3A_92 = tpu.memref_squeeze %dma_start3A_91 : memref<1x1x8x128xf32, #tpu.memory_space<hbm>> -> memref<8x128xf32, #tpu.memory_space<hbm>>
      %dma_start3A_93 = arith.constant 0 : i32
      %dma_start3A_94 = arith.constant 0 : i32
      %dma_start3A_95 = tpu.memref_slice %arg4[%select_n3A, %dma_start3A_88, %dma_start3A_93, %dma_start3A_94] : memref<8x1x8x128xf32, #tpu.memory_space<hbm>> -> memref<1x1x8x128xf32, #tpu.memory_space<hbm>>
      %dma_start3A_96 = tpu.memref_squeeze %dma_start3A_95 : memref<1x1x8x128xf32, #tpu.memory_space<hbm>> -> memref<8x128xf32, #tpu.memory_space<hbm>>
      tpu.enqueue_dma source(%dma_start3A_96 : memref<8x128xf32, #tpu.memory_space<hbm>>) target(%arg11 : memref<8x128xf32, #tpu.memory_space<vmem>>) target_semaphore(%arg13 : memref<!tpu.dma_semaphore, #tpu.memory_space<semaphore_mem>>)
    } else {
    }
    %not3A = arith.constant true
    %not3A_5 = arith.xori %lt3A_3, %not3A : i1
    %convert_element_type3A_6 = arith.extui %not3A_5 : i1 to i32
    %cond3A_7 = arith.constant 0 : i32
    %cond3A_8 = arith.cmpi ne, %convert_element_type3A_6, %cond3A_7 : i32
    scf.if %cond3A_8 {
      %dma_start3A_88 = arith.constant 0 : i32
      %dma_start3A_89 = arith.constant 0 : i32
      %dma_start3A_90 = arith.constant 0 : i32
      %dma_start3A_91 = tpu.memref_slice %arg5[%select_n3A, %dma_start3A_88, %dma_start3A_89, %dma_start3A_90] : memref<8x1x8x128xf32, #tpu.memory_space<hbm>> -> memref<1x1x8x128xf32, #tpu.memory_space<hbm>>
      %dma_start3A_92 = tpu.memref_squeeze %dma_start3A_91 : memref<1x1x8x128xf32, #tpu.memory_space<hbm>> -> memref<8x128xf32, #tpu.memory_space<hbm>>
      %dma_start3A_93 = arith.constant 0 : i32
      %dma_start3A_94 = arith.constant 0 : i32
      %dma_start3A_95 = tpu.memref_slice %arg5[%select_n3A, %dma_start3A_88, %dma_start3A_93, %dma_start3A_94] : memref<8x1x8x128xf32, #tpu.memory_space<hbm>> -> memref<1x1x8x128xf32, #tpu.memory_space<hbm>>
      %dma_start3A_96 = tpu.memref_squeeze %dma_start3A_95 : memref<1x1x8x128xf32, #tpu.memory_space<hbm>> -> memref<8x128xf32, #tpu.memory_space<hbm>>
      tpu.enqueue_dma source(%dma_start3A_96 : memref<8x128xf32, #tpu.memory_space<hbm>>) target(%arg11 : memref<8x128xf32, #tpu.memory_space<vmem>>) target_semaphore(%arg13 : memref<!tpu.dma_semaphore, #tpu.memory_space<semaphore_mem>>)
    } else {
    }
    %dma_start3A = arith.constant 0 : i32
    %dma_start3A_9 = tpu.memref_slice %arg10[%dma_start3A] : memref<16xi32, #tpu.memory_space<vmem>> -> memref<2xi32, #tpu.memory_space<vmem>>
    %dma_start3A_10 = arith.constant 0 : i32
    %dma_start3A_11 = tpu.memref_slice %arg10[%dma_start3A_10] : memref<16xi32, #tpu.memory_space<vmem>> -> memref<2xi32, #tpu.memory_space<vmem>>
    tpu.enqueue_dma source(%arg2 : memref<2xi32, #tpu.memory_space<hbm>>) target(%dma_start3A_11 : memref<2xi32, #tpu.memory_space<vmem>>) target_semaphore(%arg12 : memref<!tpu.dma_semaphore, #tpu.memory_space<semaphore_mem>>)
    %dma_start3A_12 = arith.constant 8 : i32
    %dma_start3A_13 = tpu.memref_slice %arg10[%dma_start3A_12] : memref<16xi32, #tpu.memory_space<vmem>> -> memref<1xi32, #tpu.memory_space<vmem>>
    %dma_start3A_14 = arith.constant 8 : i32
    %dma_start3A_15 = tpu.memref_slice %arg10[%dma_start3A_14] : memref<16xi32, #tpu.memory_space<vmem>> -> memref<1xi32, #tpu.memory_space<vmem>>
    tpu.enqueue_dma source(%arg3 : memref<1xi32, #tpu.memory_space<hbm>>) target(%dma_start3A_15 : memref<1xi32, #tpu.memory_space<vmem>>) target_semaphore(%arg12 : memref<!tpu.dma_semaphore, #tpu.memory_space<semaphore_mem>>)
    %dma_wait3A = arith.constant 0 : i32
    %dma_wait3A_16 = tpu.memref_slice %arg10[%dma_wait3A] : memref<16xi32, #tpu.memory_space<vmem>> -> memref<2xi32, #tpu.memory_space<vmem>>
    %dma_wait3A_17 = arith.constant 0 : i32
    %dma_wait3A_18 = tpu.memref_slice %arg10[%dma_wait3A_17] : memref<16xi32, #tpu.memory_space<vmem>> -> memref<2xi32, #tpu.memory_space<vmem>>
    tpu.wait_dma2 semaphore(%arg12 : memref<!tpu.dma_semaphore, #tpu.memory_space<semaphore_mem>>) src(%arg2 : memref<2xi32, #tpu.memory_space<hbm>>) dst(%dma_wait3A_18 : memref<2xi32, #tpu.memory_space<vmem>>)
    %dma_wait3A_19 = arith.constant 8 : i32
    %dma_wait3A_20 = tpu.memref_slice %arg10[%dma_wait3A_19] : memref<16xi32, #tpu.memory_space<vmem>> -> memref<1xi32, #tpu.memory_space<vmem>>
    %dma_wait3A_21 = arith.constant 8 : i32
    %dma_wait3A_22 = tpu.memref_slice %arg10[%dma_wait3A_21] : memref<16xi32, #tpu.memory_space<vmem>> -> memref<1xi32, #tpu.memory_space<vmem>>
    tpu.wait_dma2 semaphore(%arg12 : memref<!tpu.dma_semaphore, #tpu.memory_space<semaphore_mem>>) src(%arg3 : memref<1xi32, #tpu.memory_space<hbm>>) dst(%dma_wait3A_22 : memref<1xi32, #tpu.memory_space<vmem>>)
    %get3A = arith.constant 0 : index
    %get3A_23 = tpu.vector_load %arg10[%get3A] {strides = array<i32>} : memref<16xi32, #tpu.memory_space<vmem>>, vector<16xi32>,
    %get3A_24 = vector.shape_cast %get3A_23 : vector<16xi32> to vector<16xi32>
    %slice3A = vector.extract_strided_slice %get3A_24 {offsets = [0], sizes = [1], strides = [1]} : vector<16xi32> to vector<1xi32>
    %squeeze3A = vector.extract %slice3A[0] : i32 from vector<1xi32>
    %slice3A_25 = vector.extract_strided_slice %get3A_24 {offsets = [1], sizes = [1], strides = [1]} : vector<16xi32> to vector<1xi32>
    %squeeze3A_26 = vector.extract %slice3A_25[0] : i32 from vector<1xi32>
    %slice3A_27 = vector.extract_strided_slice %get3A_24 {offsets = [8], sizes = [1], strides = [1]} : vector<16xi32> to vector<1xi32>
    %squeeze3A_28 = vector.extract %slice3A_27[0] : i32 from vector<1xi32>
    %lt3A_29 = arith.constant 0 : i32
    %lt3A_30 = arith.cmpi slt, %squeeze3A_28, %lt3A_29 : i32
    %jit3A = arith.constant 2 : i32
    %jit3A_31 = arith.constant 0 : i32
    %select_n3A_32 = arith.select %lt3A_30, %jit3A, %jit3A_31 : i32
    %add3A = arith.addi %squeeze3A_28, %select_n3A_32 : i32
    %jit3A_33 = arith.constant 0 : i32
    %jit3A_34 = arith.constant 1 : i32
    %max3A = arith.maxsi %jit3A_33, %add3A : i32
    %min3A = arith.minsi %jit3A_34, %max3A : i32
    %lt3A_35 = arith.constant 0 : i32
    %lt3A_36 = arith.cmpi slt, %squeeze3A, %lt3A_35 : i32
    %jit3A_37 = arith.constant 2048 : i32
    %jit3A_38 = arith.constant 0 : i32
    %select_n3A_39 = arith.select %lt3A_36, %jit3A_37, %jit3A_38 : i32
    %add3A_40 = arith.addi %squeeze3A, %select_n3A_39 : i32
    %jit3A_41 = arith.constant 0 : i32
    %jit3A_42 = arith.constant 2047 : i32
    %max3A_43 = arith.maxsi %jit3A_41, %add3A_40 : i32
    %min3A_44 = arith.minsi %jit3A_42, %max3A_43 : i32
    %sub3A_45 = arith.constant 1 : i32
    %sub3A_46 = arith.subi %squeeze3A_26, %sub3A_45 : i32
    %lt3A_47 = arith.constant 0 : i32
    %lt3A_48 = arith.cmpi slt, %sub3A_46, %lt3A_47 : i32
    %jit3A_49 = arith.constant 2048 : i32
    %jit3A_50 = arith.constant 0 : i32
    %select_n3A_51 = arith.select %lt3A_48, %jit3A_49, %jit3A_50 : i32
    %add3A_52 = arith.addi %sub3A_46, %select_n3A_51 : i32
    %jit3A_53 = arith.constant 0 : i32
    %jit3A_54 = arith.constant 2047 : i32
    %max3A_55 = arith.maxsi %jit3A_53, %add3A_52 : i32
    %min3A_56 = arith.minsi %jit3A_54, %max3A_55 : i32
    %eq3A = arith.cmpi eq, %min3A_56, %min3A_44 : i32
    %dma_wait3A_57 = arith.constant 0 : i32
    %dma_wait3A_58 = arith.constant 0 : i32
    %dma_wait3A_59 = arith.constant 0 : i32
    %dma_wait3A_60 = arith.constant 0 : i32
    %dma_wait3A_61 = tpu.memref_slice %arg4[%dma_wait3A_57, %dma_wait3A_58, %dma_wait3A_59, %dma_wait3A_60] : memref<8x1x8x128xf32, #tpu.memory_space<hbm>> -> memref<1x1x8x128xf32, #tpu.memory_space<hbm>>
    %dma_wait3A_62 = tpu.memref_squeeze %dma_wait3A_61 : memref<1x1x8x128xf32, #tpu.memory_space<hbm>> -> memref<8x128xf32, #tpu.memory_space<hbm>>
    %dma_wait3A_63 = arith.constant 0 : i32
    %dma_wait3A_64 = arith.constant 0 : i32
    %dma_wait3A_65 = tpu.memref_slice %arg4[%dma_wait3A_57, %dma_wait3A_58, %dma_wait3A_63, %dma_wait3A_64] : memref<8x1x8x128xf32, #tpu.memory_space<hbm>> -> memref<1x1x8x128xf32, #tpu.memory_space<hbm>>
    %dma_wait3A_66 = tpu.memref_squeeze %dma_wait3A_65 : memref<1x1x8x128xf32, #tpu.memory_space<hbm>> -> memref<8x128xf32, #tpu.memory_space<hbm>>
    tpu.wait_dma2 semaphore(%arg13 : memref<!tpu.dma_semaphore, #tpu.memory_space<semaphore_mem>>) src(%dma_wait3A_66 : memref<8x128xf32, #tpu.memory_space<hbm>>) dst(%arg11 : memref<8x128xf32, #tpu.memory_space<vmem>>)
    %not3A_67 = arith.constant true
    %not3A_68 = arith.xori %eq3A, %not3A_67 : i1
    %and3A = arith.andi %lt3A_3, %not3A_68 : i1
    %convert_element_type3A_69 = arith.extui %and3A : i1 to i32
    %cond3A_70 = arith.constant 0 : i32
    %cond3A_71 = arith.cmpi ne, %convert_element_type3A_69, %cond3A_70 : i32
    scf.if %cond3A_71 {
      "tpu.region"() ({
        %run_scoped3A = tpu.sem_alloc : memref<!tpu.dma_semaphore, #tpu.memory_space<semaphore_mem>>
        %dma_start3A_88 = arith.constant 0 : i32
        %dma_start3A_89 = arith.constant 0 : i32
        %dma_start3A_90 = tpu.memref_slice %arg6[%min3A, %select_n3A, %min3A_56, %dma_start3A_88, %dma_start3A_89] : memref<2x8x2048x8x128xf32, #tpu.memory_space<hbm>> -> memref<1x1x1x8x128xf32, #tpu.memory_space<hbm>>
        %dma_start3A_91 = tpu.memref_squeeze %dma_start3A_90 : memref<1x1x1x8x128xf32, #tpu.memory_space<hbm>> -> memref<8x128xf32, #tpu.memory_space<hbm>>
        %dma_start3A_92 = arith.constant 0 : i32
        %dma_start3A_93 = arith.constant 0 : i32
        %dma_start3A_94 = tpu.memref_slice %arg6[%min3A, %select_n3A, %min3A_56, %dma_start3A_92, %dma_start3A_93] : memref<2x8x2048x8x128xf32, #tpu.memory_space<hbm>> -> memref<1x1x1x8x128xf32, #tpu.memory_space<hbm>>
        %dma_start3A_95 = tpu.memref_squeeze %dma_start3A_94 : memref<1x1x1x8x128xf32, #tpu.memory_space<hbm>> -> memref<8x128xf32, #tpu.memory_space<hbm>>
        tpu.enqueue_dma source(%dma_start3A_95 : memref<8x128xf32, #tpu.memory_space<hbm>>) target(%arg11 : memref<8x128xf32, #tpu.memory_space<vmem>>) target_semaphore(%run_scoped3A : memref<!tpu.dma_semaphore, #tpu.memory_space<semaphore_mem>>)
        %dma_wait3A_96 = arith.constant 0 : i32
        %dma_wait3A_97 = arith.constant 0 : i32
        %dma_wait3A_98 = tpu.memref_slice %arg6[%min3A, %select_n3A, %min3A_56, %dma_wait3A_96, %dma_wait3A_97] : memref<2x8x2048x8x128xf32, #tpu.memory_space<hbm>> -> memref<1x1x1x8x128xf32, #tpu.memory_space<hbm>>
        %dma_wait3A_99 = tpu.memref_squeeze %dma_wait3A_98 : memref<1x1x1x8x128xf32, #tpu.memory_space<hbm>> -> memref<8x128xf32, #tpu.memory_space<hbm>>
        %dma_wait3A_100 = arith.constant 0 : i32
        %dma_wait3A_101 = arith.constant 0 : i32
        %dma_wait3A_102 = tpu.memref_slice %arg6[%min3A, %select_n3A, %min3A_56, %dma_wait3A_100, %dma_wait3A_101] : memref<2x8x2048x8x128xf32, #tpu.memory_space<hbm>> -> memref<1x1x1x8x128xf32, #tpu.memory_space<hbm>>
        %dma_wait3A_103 = tpu.memref_squeeze %dma_wait3A_102 : memref<1x1x1x8x128xf32, #tpu.memory_space<hbm>> -> memref<8x128xf32, #tpu.memory_space<hbm>>
        tpu.wait_dma2 semaphore(%run_scoped3A : memref<!tpu.dma_semaphore, #tpu.memory_space<semaphore_mem>>) src(%dma_wait3A_103 : memref<8x128xf32, #tpu.memory_space<hbm>>) dst(%arg11 : memref<8x128xf32, #tpu.memory_space<vmem>>)
        tpu.yield
      }) : () -> ()
    } else {
    }
    %not3A_72 = arith.constant true
    %not3A_73 = arith.xori %lt3A_3, %not3A_72 : i1
    %not3A_74 = arith.constant true
    %not3A_75 = arith.xori %eq3A, %not3A_74 : i1
    %and3A_76 = arith.andi %not3A_73, %not3A_75 : i1
    %convert_element_type3A_77 = arith.extui %and3A_76 : i1 to i32
    %cond3A_78 = arith.constant 0 : i32
    %cond3A_79 = arith.cmpi ne, %convert_element_type3A_77, %cond3A_78 : i32
    scf.if %cond3A_79 {
      "tpu.region"() ({
        %run_scoped3A = tpu.sem_alloc : memref<!tpu.dma_semaphore, #tpu.memory_space<semaphore_mem>>
        %dma_start3A_88 = arith.constant 0 : i32
        %dma_start3A_89 = arith.constant 0 : i32
        %dma_start3A_90 = tpu.memref_slice %arg7[%min3A, %select_n3A, %min3A_56, %dma_start3A_88, %dma_start3A_89] : memref<2x8x2048x8x128xf32, #tpu.memory_space<hbm>> -> memref<1x1x1x8x128xf32, #tpu.memory_space<hbm>>
        %dma_start3A_91 = tpu.memref_squeeze %dma_start3A_90 : memref<1x1x1x8x128xf32, #tpu.memory_space<hbm>> -> memref<8x128xf32, #tpu.memory_space<hbm>>
        %dma_start3A_92 = arith.constant 0 : i32
        %dma_start3A_93 = arith.constant 0 : i32
        %dma_start3A_94 = tpu.memref_slice %arg7[%min3A, %select_n3A, %min3A_56, %dma_start3A_92, %dma_start3A_93] : memref<2x8x2048x8x128xf32, #tpu.memory_space<hbm>> -> memref<1x1x1x8x128xf32, #tpu.memory_space<hbm>>
        %dma_start3A_95 = tpu.memref_squeeze %dma_start3A_94 : memref<1x1x1x8x128xf32, #tpu.memory_space<hbm>> -> memref<8x128xf32, #tpu.memory_space<hbm>>
        tpu.enqueue_dma source(%dma_start3A_95 : memref<8x128xf32, #tpu.memory_space<hbm>>) target(%arg11 : memref<8x128xf32, #tpu.memory_space<vmem>>) target_semaphore(%run_scoped3A : memref<!tpu.dma_semaphore, #tpu.memory_space<semaphore_mem>>)
        %dma_wait3A_96 = arith.constant 0 : i32
        %dma_wait3A_97 = arith.constant 0 : i32
        %dma_wait3A_98 = tpu.memref_slice %arg7[%min3A, %select_n3A, %min3A_56, %dma_wait3A_96, %dma_wait3A_97] : memref<2x8x2048x8x128xf32, #tpu.memory_space<hbm>> -> memref<1x1x1x8x128xf32, #tpu.memory_space<hbm>>
        %dma_wait3A_99 = tpu.memref_squeeze %dma_wait3A_98 : memref<1x1x1x8x128xf32, #tpu.memory_space<hbm>> -> memref<8x128xf32, #tpu.memory_space<hbm>>
        %dma_wait3A_100 = arith.constant 0 : i32
        %dma_wait3A_101 = arith.constant 0 : i32
        %dma_wait3A_102 = tpu.memref_slice %arg7[%min3A, %select_n3A, %min3A_56, %dma_wait3A_100, %dma_wait3A_101] : memref<2x8x2048x8x128xf32, #tpu.memory_space<hbm>> -> memref<1x1x1x8x128xf32, #tpu.memory_space<hbm>>
        %dma_wait3A_103 = tpu.memref_squeeze %dma_wait3A_102 : memref<1x1x1x8x128xf32, #tpu.memory_space<hbm>> -> memref<8x128xf32, #tpu.memory_space<hbm>>
        tpu.wait_dma2 semaphore(%run_scoped3A : memref<!tpu.dma_semaphore, #tpu.memory_space<semaphore_mem>>) src(%dma_wait3A_103 : memref<8x128xf32, #tpu.memory_space<hbm>>) dst(%arg11 : memref<8x128xf32, #tpu.memory_space<vmem>>)
        tpu.yield
      }) : () -> ()
    } else {
    }
    %convert_element_type3A_80 = arith.extui %lt3A_3 : i1 to i32
    %cond3A_81 = arith.constant 0 : i32
    %cond3A_82 = arith.cmpi ne, %convert_element_type3A_80, %cond3A_81 : i32
    scf.if %cond3A_82 {
      %run_scoped3A = arith.constant 0 : i32
      "tpu.region"() ({
        %run_scoped3A_88 = tpu.sem_alloc : memref<!tpu.dma_semaphore, #tpu.memory_space<semaphore_mem>>
        %dma_start3A_89 = arith.constant 0 : i32
        %dma_start3A_90 = arith.constant 0 : i32
        %dma_start3A_91 = tpu.memref_slice %arg8[%select_n3A, %run_scoped3A, %dma_start3A_89, %dma_start3A_90] : memref<8x1x8x128xf32, #tpu.memory_space<hbm>> -> memref<1x1x8x128xf32, #tpu.memory_space<hbm>>
        %dma_start3A_92 = tpu.memref_squeeze %dma_start3A_91 : memref<1x1x8x128xf32, #tpu.memory_space<hbm>> -> memref<8x128xf32, #tpu.memory_space<hbm>>
        %dma_start3A_93 = arith.constant 0 : i32
        %dma_start3A_94 = arith.constant 0 : i32
        %dma_start3A_95 = tpu.memref_slice %arg8[%select_n3A, %run_scoped3A, %dma_start3A_93, %dma_start3A_94] : memref<8x1x8x128xf32, #tpu.memory_space<hbm>> -> memref<1x1x8x128xf32, #tpu.memory_space<hbm>>
        %dma_start3A_96 = tpu.memref_squeeze %dma_start3A_95 : memref<1x1x8x128xf32, #tpu.memory_space<hbm>> -> memref<8x128xf32, #tpu.memory_space<hbm>>
        tpu.enqueue_dma source(%arg11 : memref<8x128xf32, #tpu.memory_space<vmem>>) target(%dma_start3A_96 : memref<8x128xf32, #tpu.memory_space<hbm>>) target_semaphore(%run_scoped3A_88 : memref<!tpu.dma_semaphore, #tpu.memory_space<semaphore_mem>>)
        %dma_wait3A_97 = arith.constant 0 : i32
        %dma_wait3A_98 = arith.constant 0 : i32
        %dma_wait3A_99 = tpu.memref_slice %arg8[%select_n3A, %run_scoped3A, %dma_wait3A_97, %dma_wait3A_98] : memref<8x1x8x128xf32, #tpu.memory_space<hbm>> -> memref<1x1x8x128xf32, #tpu.memory_space<hbm>>
        %dma_wait3A_100 = tpu.memref_squeeze %dma_wait3A_99 : memref<1x1x8x128xf32, #tpu.memory_space<hbm>> -> memref<8x128xf32, #tpu.memory_space<hbm>>
        %dma_wait3A_101 = arith.constant 0 : i32
        %dma_wait3A_102 = arith.constant 0 : i32
        %dma_wait3A_103 = tpu.memref_slice %arg8[%select_n3A, %run_scoped3A, %dma_wait3A_101, %dma_wait3A_102] : memref<8x1x8x128xf32, #tpu.memory_space<hbm>> -> memref<1x1x8x128xf32, #tpu.memory_space<hbm>>
        %dma_wait3A_104 = tpu.memref_squeeze %dma_wait3A_103 : memref<1x1x8x128xf32, #tpu.memory_space<hbm>> -> memref<8x128xf32, #tpu.memory_space<hbm>>
        tpu.wait_dma2 semaphore(%run_scoped3A_88 : memref<!tpu.dma_semaphore, #tpu.memory_space<semaphore_mem>>) src(%arg11 : memref<8x128xf32, #tpu.memory_space<vmem>>) dst(%dma_wait3A_104 : memref<8x128xf32, #tpu.memory_space<hbm>>)
        tpu.yield
      }) : () -> ()
    } else {
    }
    %not3A_83 = arith.constant true
    %not3A_84 = arith.xori %lt3A_3, %not3A_83 : i1
    %convert_element_type3A_85 = arith.extui %not3A_84 : i1 to i32
    %cond3A_86 = arith.constant 0 : i32
    %cond3A_87 = arith.cmpi ne, %convert_element_type3A_85, %cond3A_86 : i32
    scf.if %cond3A_87 {
      %run_scoped3A = arith.constant 0 : i32
      "tpu.region"() ({
        %run_scoped3A_88 = tpu.sem_alloc : memref<!tpu.dma_semaphore, #tpu.memory_space<semaphore_mem>>
        %dma_start3A_89 = arith.constant 0 : i32
        %dma_start3A_90 = arith.constant 0 : i32
        %dma_start3A_91 = tpu.memref_slice %arg9[%select_n3A, %run_scoped3A, %dma_start3A_89, %dma_start3A_90] : memref<8x1x8x128xf32, #tpu.memory_space<hbm>> -> memref<1x1x8x128xf32, #tpu.memory_space<hbm>>
        %dma_start3A_92 = tpu.memref_squeeze %dma_start3A_91 : memref<1x1x8x128xf32, #tpu.memory_space<hbm>> -> memref<8x128xf32, #tpu.memory_space<hbm>>
        %dma_start3A_93 = arith.constant 0 : i32
        %dma_start3A_94 = arith.constant 0 : i32
        %dma_start3A_95 = tpu.memref_slice %arg9[%select_n3A, %run_scoped3A, %dma_start3A_93, %dma_start3A_94] : memref<8x1x8x128xf32, #tpu.memory_space<hbm>> -> memref<1x1x8x128xf32, #tpu.memory_space<hbm>>
        %dma_start3A_96 = tpu.memref_squeeze %dma_start3A_95 : memref<1x1x8x128xf32, #tpu.memory_space<hbm>> -> memref<8x128xf32, #tpu.memory_space<hbm>>
        tpu.enqueue_dma source(%arg11 : memref<8x128xf32, #tpu.memory_space<vmem>>) target(%dma_start3A_96 : memref<8x128xf32, #tpu.memory_space<hbm>>) target_semaphore(%run_scoped3A_88 : memref<!tpu.dma_semaphore, #tpu.memory_space<semaphore_mem>>)
        %dma_wait3A_97 = arith.constant 0 : i32
        %dma_wait3A_98 = arith.constant 0 : i32
        %dma_wait3A_99 = tpu.memref_slice %arg9[%select_n3A, %run_scoped3A, %dma_wait3A_97, %dma_wait3A_98] : memref<8x1x8x128xf32, #tpu.memory_space<hbm>> -> memref<1x1x8x128xf32, #tpu.memory_space<hbm>>
        %dma_wait3A_100 = tpu.memref_squeeze %dma_wait3A_99 : memref<1x1x8x128xf32, #tpu.memory_space<hbm>> -> memref<8x128xf32, #tpu.memory_space<hbm>>
        %dma_wait3A_101 = arith.constant 0 : i32
        %dma_wait3A_102 = arith.constant 0 : i32
        %dma_wait3A_103 = tpu.memref_slice %arg9[%select_n3A, %run_scoped3A, %dma_wait3A_101, %dma_wait3A_102] : memref<8x1x8x128xf32, #tpu.memory_space<hbm>> -> memref<1x1x8x128xf32, #tpu.memory_space<hbm>>
        %dma_wait3A_104 = tpu.memref_squeeze %dma_wait3A_103 : memref<1x1x8x128xf32, #tpu.memory_space<hbm>> -> memref<8x128xf32, #tpu.memory_space<hbm>>
        tpu.wait_dma2 semaphore(%run_scoped3A_88 : memref<!tpu.dma_semaphore, #tpu.memory_space<semaphore_mem>>) src(%arg11 : memref<8x128xf32, #tpu.memory_space<vmem>>) dst(%dma_wait3A_104 : memref<8x128xf32, #tpu.memory_space<hbm>>)
        tpu.yield
      }) : () -> ()
    } else {
    }
    return
  }
}

</mosaic_0001>

<sc_bundles>
// kernel: kernel.3.cloned.1.call-start
scs
__scs_entry_jumppad:
0x0: {  	(pc) =	sbr.rel $0x88, $3  }
0x1: {  	(tag) =	ssettag $0x0;
	lr =	simm.s32 $0x1  }
0x2: {  	[smem:$0x3F9B] =	sst lr;
	_ =	strace $0xD0000000  }
0x3: {  	_ = 	snop  }
0x4: {  	_ = 	snop  }
0x5: {  	_ = 	snop  }
0x6: {  	_ = 	snop  }
0x7: {  	_ = 	snop  }
__scs_overlays_trampoline_lowered:
0x8: {  	[smem:$0x3FAA] =	sst s0  }
0x9: {  	[smem:$0x3FAB] =	sst s1  }
0xa: {  	[smem:$0x3FAC] =	sst s2  }
0xb: {  	[smem:$0x3FAD] =	sst s3  }
0xc: {  	[smem:$0x3FAE] =	sst s4  }
0xd: {  	[smem:$0x3FAF] =	sst s5  }
0xe: {  	[smem:$0x3FB0] =	sst s6  }
0xf: {  	[smem:$0x3FB1] =	sst s7  }
0x10: {  	[smem:$0x3FB2] =	sst s8  }
0x11: {  	[smem:$0x3FB3] =	sst s9;
	s0 =	simm.s32 @!p0 $0x0  }
0x12: {  	s1 =	sld [smem:$0x3F99];
	s0 =	simm.s32 @p0 $0x1  }
0x13: {  	[smem:$0x3FB4] =	sst s0;
	s0 =	simm.s32 @!p1 $0x0  }
0x14: {  	s2 =	sld [smem:$0x3F98];
	s0 =	simm.s32 @p1 $0x1  }
0x15: {  	[smem:$0x3FB5] =	sst s0;
	s0 =	simm.s32 @!p2 $0x0  }
0x16: {  	s3 =	sld [smem:$0x3FDB];
	s0 =	simm.s32 @p2 $0x1  }
0x17: {  	s4 =	simm.s32 $0x1BF5;
	[smem:$0x3FB7] =	sst s0  }
0x18: {  	s0 =	sld [smem:$0x3F9A];
	_ =	swait.ge [sflag:s4], $0x0  }
0x19: {  	s7 =	sld [smem:$0x3F9B]  }
0x1a: {  	s8 =	sadd.s32 $0xFFFFE003, lr  }
0x1b: {  	s9 =	sadd.s32 $0xFFFFFEF7, lr;
	s5 =	simm.s32 $0xFFFFFFFF;
	p2 =	slt.u32 s8, $0xFFFFF086  }
0x1c: {  	p1 =	slt.u32 s9, $0xF7A;
	s5 =	simm.s32 @!p2 $0x0  }
0x1d: {  	s5 =	simm.s32 @p1 $0x1;
	p0 =	seq.s32 s7, s2  }
0x1e: {  	s7 =	smul.u32 @!p0 $0xF7A, s2;
	p2 =	seq.s32 @!p0 s5, $0x0  }
0x1f: {  	s9 =	smul.u32 $0xF7A, s1;
	s8 =	simm.s32 @!p0 $0x1BF5;
	p2 =	por !p2, p0  }
0x20: {  	[sflag:s8] =	ssyncset.s32 @!p0 $0xFFFFF086;
	s6 =	sadd.s32 @!p0 s3, s7;
	s7 =	simm.s32 @!p0 $0x108  }
0x21: {  	s3 =	sadd.s32 s3, s9;
	s6 =	sadd.s32 @!p0 $0x88, s6;
	s7 =	simm.s32 @p2 $0x1082  }
0x22: {  	[simem:s7], [sflag:s8] =	dma.local @!p0 [hbm:s6], $0xF7A  }
0x23: {  	s9 =	sor.u32 $0xD0000000, s2;
	s6 =	simm.s32 $0x108;
	_ =	swait.ge @!p0 [sflag:s8], $0x0  }
0x24: {  	s3 =	sadd.s32 $0x88, s3;
	s6 =	simm.s32 @!p1 $0x1082;
	[sflag:s4] =	ssyncset.s32 $0xFFFFF086  }
0x25: {  	[simem:s6], [sflag:s4] =	dma.local [hbm:s3], $0xF7A  }
0x26: {  	[smem:$0x3F9B] =	sst s1;
	(tag) =	ssettag s2;
	_ =	strace s9  }
0x27: {  	s1 =	sld [smem:$0x3FAB]  }
0x28: {  	s2 =	sld [smem:$0x3FAC]  }
0x29: {  	s4 =	sld [smem:$0x3FAE]  }
0x2a: {  	p0 =	seq.s32 s5, $0x0;
	s5 =	sld [smem:$0x3FAF]  }
0x2b: {  	s6 =	sld [smem:$0x3FB0]  }
0x2c: {  	s7 =	sld [smem:$0x3FB1]  }
0x2d: {  	s3 =	simm.s32 $0x108;
	s8 =	sld [smem:$0x3FB2]  }
0x2e: {  	s3 =	simm.s32 @!p0 $0x1082;
	s9 =	sld [smem:$0x3FB3]  }
0x2f: {  	lr =	sadd.s32 s0, s3;
	s0 =	sld [smem:$0x3FAA]  }
0x30: {  	s3 =	sld [smem:$0x3FAD]  }
0x31: {  	[smem:$0x3FB6] =	sst s10  }
0x32: {  	s10 =	sld [smem:$0x3FB4];
	_ =	sdelay $0x3  }
0x33: {  	p0 =	seq.s32 s10, $0x1;
	s10 =	sld [smem:$0x3FB6];
	_ =	sdelay $0x3  }
0x34: {  	[smem:$0x3FB6] =	sst s10  }
0x35: {  	s10 =	sld [smem:$0x3FB5];
	_ =	sdelay $0x3  }
0x36: {  	p1 =	seq.s32 s10, $0x1;
	s10 =	sld [smem:$0x3FB6];
	_ =	sdelay $0x3  }
0x37: {  	[smem:$0x3FB6] =	sst s10  }
0x38: {  	s10 =	sld [smem:$0x3FB7]  }
0x39: {  	_ = 	snop;
	(pc) =	sbr.ind lr, $3  }
0x3a: {  	_ = 	snop  }
0x3b: {  	_ = 	snop  }
0x3c: {  	p2 =	seq.s32 s10, $0x1;
	s10 =	sld [smem:$0x3FB6]  }
0x3d: {  	_ =	shalt  }
0x3e: {  	_ =	shalt  }
0x3f: {  	_ =	shalt  }
0x40: {  	_ =	shalt  }
0x41: {  	_ =	shalt  }
0x42: {  	_ =	shalt  }
0x43: {  	_ =	shalt  }
0x44: {  	_ =	shalt  }
0x45: {  	_ =	shalt  }
0x46: {  	_ =	shalt  }
0x47: {  	_ =	shalt  }
0x48: {  	_ =	shalt  }
0x49: {  	_ =	shalt  }
0x4a: {  	_ =	shalt  }
0x4b: {  	_ =	shalt  }
0x4c: {  	_ =	shalt  }
0x4d: {  	_ =	shalt  }
0x4e: {  	_ =	shalt  }
0x4f: {  	_ =	shalt  }
0x50: {  	_ =	shalt  }
0x51: {  	_ =	shalt  }
0x52: {  	_ =	shalt  }
0x53: {  	_ =	shalt  }
0x54: {  	_ =	shalt  }
0x55: {  	_ =	shalt  }
0x56: {  	_ =	shalt  }
0x57: {  	_ =	shalt  }
0x58: {  	_ =	shalt  }
0x59: {  	_ =	shalt  }
0x5a: {  	_ =	shalt  }
0x5b: {  	_ =	shalt  }
0x5c: {  	_ =	shalt  }
0x5d: {  	_ =	shalt  }
0x5e: {  	_ =	shalt  }
0x5f: {  	_ =	shalt  }
0x60: {  	_ =	shalt  }
0x61: {  	_ =	shalt  }
0x62: {  	_ =	shalt  }
0x63: {  	_ =	shalt  }
0x64: {  	_ =	shalt  }
0x65: {  	_ =	shalt  }
0x66: {  	_ =	shalt  }
0x67: {  	_ =	shalt  }
0x68: {  	_ =	shalt  }
0x69: {  	_ =	shalt  }
0x6a: {  	_ =	shalt  }
0x6b: {  	_ =	shalt  }
0x6c: {  	_ =	shalt  }
0x6d: {  	_ =	shalt  }
0x6e: {  	_ =	shalt  }
0x6f: {  	_ =	shalt  }
0x70: {  	_ =	shalt  }
0x71: {  	_ =	shalt  }
0x72: {  	_ =	shalt  }
0x73: {  	_ =	shalt  }
0x74: {  	_ =	shalt  }
0x75: {  	_ =	shalt  }
0x76: {  	_ =	shalt  }
0x77: {  	_ =	shalt  }
0x78: {  	_ =	shalt  }
0x79: {  	_ =	shalt  }
0x7a: {  	_ =	shalt  }
0x7b: {  	_ =	shalt  }
0x7c: {  	_ =	shalt  }
0x7d: {  	_ =	shalt  }
0x7e: {  	_ =	shalt  }
0x7f: {  	_ =	shalt  }
0x80: {  	_ =	shalt  }
0x81: {  	_ =	shalt  }
0x82: {  	_ =	shalt  }
0x83: {  	_ =	shalt  }
0x84: {  	_ =	shalt  }
0x85: {  	_ =	shalt  }
0x86: {  	_ =	shalt  }
0x87: {  	_ =	shalt  }
.Lfunc_end0:
.L_simem_size_0:
called_computation_lowered:
.L_overlay_start_0:
0x88: {  	s0 =	sld [smem:$0x3FD9]  }
0x89: {  	s1 =	sld [smem:$0x3FFE];
	_ =	sdelay $0x3  }
0x8a: {  	s0 =	sadd.s32 s1, s0  }
0x8b: {  	[smem:$0x3FC2] =	sst s0  }
0x8c: {  	_ = 	snop  }
0x8d: {  	s0 =	sld [smem:$0x3FC9]  }
0x8e: {  	s14 =	sld [smem:$0x3FC8]  }
0x8f: {  	s2 =	sld [smem:$0x3FC7]  }
0x90: {  	s3 =	sld [smem:$0x3FD0]  }
0x91: {  	s4 =	sld [smem:$0x3FC6]  }
0x92: {  	s5 =	sld [smem:$0x3FC5]  }
0x93: {  	s7 =	simm.s32 $0xA;
	s8 =	simm.s32 $0x10;
	s6 =	sld [smem:$0x3FC4]  }
0x94: {  	[smem:s8], [sflag:s7] =	dma.local [hbm:s3], $0x1  }
0x95: {  	_ =	swait.eq [sflag:s7], $0x1  }
0x96: {  	[sflag:s7] =	ssyncset.done $0x0  }
0x97: {  	s15 =	sld [smem:$0x10];
	[sflag:s7] =	ssyncadd.s32 $0xFFFFFFFF  }
0x98: {  	s16 =	sld [smem:$0x11];
	(tm) =	ssettm $0x1  }
0x99: {  	s17 =	sld [smem:$0x3FFB];
	_ =	sdelay $0x3  }
0x9a: {  	_ =	strace s17  }
0x9b: {  	s8 =	sld [smem:$0x3FFC];
	_ =	sdelay $0x3  }
0x9c: {  	_ =	strace s8  }
0x9d: {  	s8 =	sld [smem:$0x3FFD];
	_ =	sdelay $0x3  }
0x9e: {  	_ =	strace s8  }
0x9f: {  	_ =	strace $0x8FFFFFFF  }
0xa0: {  	s18 =	sld [smem:$0x3FDB];
	_ =	sdelay $0x1  }
0xa1: {  	s9 =	simm.s32 $_scs_section_size  }
0xa2: {  	s10 =	simm.s32 $_size__tile_overlayer_lowered;
	s11 =	simm.s32 $_tile_overlayer_lowered  }
0xa3: {  	s21 =	simm.s32 $0x1BFF;
	s20 =	sshll.u32 s11, $0x1;
	s8 =	sadd.s32 s9, s18  }
0xa4: {  	s12 =	simm.s32 $0x0;
	s19 =	sshll.u32 s10, $0x1;
	s10 =	sadd.s32 s20, s8  }
0xa5: {  	[timem:s12], [sflag:s21] =	dma.local [hbm:s10], s19  }
0xa6: {  	_ =	swait.ge [sflag:s21], s19  }
0xa7: {  	s9 =	ssub.s32 $0x0, s19;
	[sflag:s21] =	ssyncset.done $0x0  }
0xa8: {  	[sflag:s21] =	ssyncadd.s32 s9;
	_ =	sdelay $0x1  }
0xa9: {  	s22 =	simm.s32 $0x1B8B  }
0xaa: {  	_ =	swait.ge [sflag:s22], $0x1  }
0xab: {  	[sflag:s22] =	ssyncset.done $0x0  }
0xac: {  	s23 =	simm.s32 $0x1B8E;
	[sflag:s22] =	ssyncadd.s32 $0xFFFFFFFF  }
0xad: {  	s24 =	simm.s32 $execute0_lowered;
	[smem:$0x3FD2] =	sst s23  }
0xae: {  	s9 =	sshll.u32 s24, $0x1;
	_ =	strace $0x80000046;
	[dreg:$0x1] =	wrdreg $0xFFFFFFFF  }
0xaf: {  	s25 =	simm.s32 $_size_execute0_lowered;
	s8 =	sadd.s32 s8, s9;
	[dreg:$0x0] =	wrdreg $0x0  }
0xb0: {  	s9 =	sshll.u32 s25, $0x1;
	[dreg:$0x2] =	wrdreg s8  }
0xb1: {  	[dreg:$0x3] =	wrdreg s9  }
0xb2: {  	[dreg:$0x4] =	wrdreg $0xC0  }
0xb3: {  	_ =	task [dreg:s12], $0x5FFFF  }
0xb4: {  	[dreg:$0x1] =	wrdreg $0xFFFFFFFF  }
0xb5: {  	[dreg:$0x0] =	wrdreg $0x60  }
0xb6: {  	[dreg:$0x2] =	wrdreg s4  }
0xb7: {  	[dreg:$0x3] =	wrdreg s2  }
0xb8: {  	[dreg:$0x4] =	wrdreg s0  }
0xb9: {  	[dreg:$0x5] =	wrdreg s14  }
0xba: {  	[dreg:$0x6] =	wrdreg s5  }
0xbb: {  	[dreg:$0x7] =	wrdreg s6  }
0xbc: {  	[dreg:$0x8] =	wrdreg s15  }
0xbd: {  	[dreg:$0x9] =	wrdreg s16  }
0xbe: {  	[dreg:$0xa] =	wrdreg $0x9  }
0xbf: {  	_ =	task.clear_ibuf [dreg:s12], $0xBFFFF;
	_ =	strace $0x90000046  }
0xc0: {  	s26 =	simm.s32 $0x9;
	_ =	strace $0x80000048  }
0xc1: {  	_ =	swait.ge [sflag:s26], $0x1  }
0xc2: {  	[sflag:s26] =	ssyncadd.s32 $0xFFFFFFFF  }
0xc3: {  	_ =	strace $0x90000048  }
0xc4: {  	_ =	sfence  }
0xc5: {  	s28 =	sld [smem:$0x0];
	_ =	sdelay $0x1  }
0xc6: {  	s29 =	srdreg.scid  }
0xc7: {  	s30 =	sshll.u32 s29, $0xD;
	s31 =	sshrl.u32 s29, $0x2  }
0xc8: {  	s1 =	sand.u32 $0x1, s29;
	s2 =	sand.u32 $0x4000, s30;
	s0 =	sadd.s32 s31, s28  }
0xc9: {  	s1 =	sor.u32 s2, s1;
	s0 =	sshll.u32 s0, $0x11  }
0xca: {  	s0 =	sor.u32 s0, s1  }
0xcb: {  	s0 =	sadd.s32 $0x8F2B, s0  }
0xcc: {  	[sflag:s0] =	ssyncadd.remote.s32 $0x1  }
0xcd: {  	_ =	sfence.sel $0xFFFF  }
0xce: {  	[dreg:$0x0] =	wrdreg $0xFFFFFFFF;
	(pc) =	sbr.abs _section_cstart, $3  }
0xcf: {  	[dreg:$0x1] =	wrdreg $0xFFFFFFFF  }
0xd0: {  	_ =	task.clear_ibuf [dreg:s12], $0x2FFFF;
	_ =	strace $0x9FFFFFFF  }
0xd1: {  	(tm) =	ssettm $0x7FFFFFFF  }
tec
execute0_lowered:
.L_overlay_start_1:
0x0: {  	(tag) =	ssettag $0x1  }
0x1: {  	s9 =	rddreg [dreg:$0x0]  }
0x2: {  	s10 =	rddreg [dreg:$0x1]  }
0x3: {  	s7 =	rddreg [dreg:$0x2]  }
0x4: {  	s11 =	rddreg [dreg:$0x3]  }
0x5: {  	s12 =	rddreg [dreg:$0x4]  }
0x6: {  	s3 =	rddreg [dreg:$0x5]  }
0x7: {  	s5 =	rddreg [dreg:$0x6];
	s0 =	stileid.u32  }
0x8: {  	s2 =	rddreg [dreg:$0x7];
	s8 =	sadd.s32 $0xFFFFFFF8, s0  }
0x9: {  	s1 =	rddreg [dreg:$0x8];
	s4 =	simm.s32 $0x0;
	s13 =	sshll.u32 s8, $0x7  }
0xa: {  	[smem:$0x7FF] =	sst s4;
	s6 =	sshll.u32 s0, $0x7;
	s13 =	sand.u32 $0x1FFFFF80, s13  }
0xb: {  	p0 =	slt.u32 s0, $0x8;
	s7 =	sadd.s32 s7, s6;
	s11 =	sadd.s32 s11, s13  }
0xc: {  	_ =	strace $0x80000047;
	s11 =	smov.u32 @p0 s7;
	s7 =	simm.s32 $0x80  }
0xd: {  	[tilespmem:s7], [sflag:$0x2] =	stream.linear.gather [hbm4b:s11+s4], $0x400, $0x38;
	[tilespmem:$0x480] =	vst v63  }
0xe: {  	_ = 	snop  }
0xf: {  	[tilespmem:s4], [sflag:$0x1] =	stream.linear.gather [hbm4b:s9+s4], $0x2, $0x38;
	[tilespmem:$0x480] =	vst v63  }
0x10: {  	s21 =	simm.s32 $0x8;
	s22 =	simm.s32 $0x1  }
0x11: {  	[tilespmem:s21], [sflag:$0x1] =	stream.linear.gather [hbm4b:s10+s4], $0x1, $0x38;
	[tilespmem:$0x480] =	vst v63  }
0x12: {  	_ =	swait.ge [sflag:s22], $0x2  }
0x13: {  	[sflag:s22] =	ssyncset.done $0x0  }
0x14: {  	[sflag:s22] =	ssyncadd.s32 $0xFFFFFFFE  }
0x15: {  	_ =	swait.ge [sflag:s22], $0x1  }
0x16: {  	[sflag:s22] =	ssyncset.done $0x0  }
0x17: {  	[sflag:s22] =	ssyncadd.s32 $0xFFFFFFFF  }
0x18: {  	v0 =	vld [tilespmem:$0x0];
	_ =	sdelay $0x4  }
0x19: {  	(v2sf) =	vpush v0, $0x0  }
0x1a: {  	(v2sf) =	vpush v0, $0x1;
	_ =	sdelay $0x5  }
0x1b: {  	(v2sf) =	vpush v0, $0x8;
	_ =	sdelay $0x7  }
0x1c: {  	s23 =	spop (v2sf)  }
0x1d: {  	s24 =	spop (v2sf)  }
0x1e: {  	s10 =	sadd.s32 $0xFFFFFFFF, s24  }
0x1f: {  	s25 =	sshrl.u32 s23, $0x14;
	s26 =	sshrl.u32 s10, $0x14  }
0x20: {  	s11 =	sand.u32 $0x800, s25;
	s13 =	sand.u32 $0x800, s26  }
0x21: {  	s9 =	sadd.s32 s23, s11;
	s10 =	sadd.s32 s10, s13  }
0x22: {  	p1 =	sgt.u32 s0, $0x7;
	p2 =	sgt.s32 s9, $0x0;
	p3 =	sgt.s32 s10, $0x0  }
0x23: {  	s28 =	spop (v2sf);
	s9 =	simm.s32 @!p2 $0x0;
	s10 =	simm.s32 @!p3 $0x0  }
0x24: {  	s29 =	sshrl.u32 s28, $0x1E;
	s14 =	smin.u32 s9, $0x7FF;
	s9 =	smin.u32 s10, $0x7FF  }
0x25: {  	s31 =	simm.s32 $0x2;
	s30 =	sand.u32 $0x2, s29;
	p3 =	seq.s32 @!p1 s9, s14  }
0x26: {  	_ =	swait.ge [sflag:s31], $0x400;
	s10 =	sadd.s32 s28, s30;
	p2 =	por p3, p1  }
0x27: {  	[sflag:s31] =	ssyncset.done $0x0;
	p4 =	sgt.s32 @!p2 s10, $0x0  }
0x28: {  	[sflag:s31] =	ssyncadd.s32 $0xFFFFFC00;
	p6 =	sne.s32 s9, s14;
	p3 =	por @!p1 !p4, p3  }
0x29: {  	s13 =	sshll.u32 @!p2 s0, $0x12;
	s15 =	simm.s32 @!p2 $0x200000;
	p3 =	por !p3, p1  }
0x2a: {  	s11 =	sshll.u32 @!p2 s9, $0x7;
	s12 =	sadd.s32 @!p2 s12, s13;
	s15 =	simm.s32 @!p3 $0x0  }
0x2b: {  	s13 =	simm.s32 @!p2 $0x80;
	p1 =	por !p6, !p1;
	s12 =	sadd.s32 @!p2 s15, s12  }
0x2c: {  	p1 =	por !p1, !p1;
	s11 =	sadd.s32 @!p2 s11, s12;
	s12 =	simm.s32 @!p2 $0x0  }
0x2d: {  	[tilespmem:s13], [sflag:$0x3] =	stream.linear.gather @!p2 [hbm4b:s11+s12], $0x400, $0x38;
	[tilespmem:$0x480] =	vst v63  }
.Ltmp0:
0x2e: {  	_ = 	snop;
	(pc) =	sbr.rel @!p1 .LBB2_1-.Ltmp0, $4  }
0x2f: {  	s11 =	simm.s32 @!p2 $0x3  }
0x30: {  	_ =	swait.ge @!p2 [sflag:s11], $0x400  }
0x31: {  	[sflag:s11] =	ssyncset.done @!p2 $0x0  }
0x32: {  	s8 =	smin.u32 s0, s8;
	[sflag:s11] =	ssyncadd.s32 @!p2 $0xFFFFFC00  }
0x33: {  	p0 =	sgt.s32 s10, $0x0;
	s5 =	simm.s32 $0x1000000  }
0x34: {  	s6 =	sshll.u32 s8, $0x15;
	s5 =	simm.s32 @!p0 $0x0  }
0x35: {  	s30 =	sshll.u32 s9, $0xA;
	s5 =	sadd.s32 s6, s5  }
0x36: {  	s5 =	sor.u32 s5, s30  }
0x37: {  	s5 =	sshrl.u32 s5, $0x3  }
.Ltmp1:
0x38: {  	s31 =	simm.s32 $0x3;
	s3 =	sadd.s32 s3, s5;
	(pc) =	sbr.rel .LBB2_4-.Ltmp1, $4  }
0x39: {  	[tilespmem:s7], [sflag:$0x3] =	stream.linear.gather [hbm4b:s3+s4], $0x400, $0x38;
	[tilespmem:$0x480] =	vst v63  }
0x3a: {  	_ =	swait.ge [sflag:s31], $0x400  }
0x3b: {  	[sflag:s31] =	ssyncset.done $0x0  }
0x3c: {  	[sflag:s31] =	ssyncadd.s32 $0xFFFFFC00  }
.LBB2_1:
.Ltmp2:
0x3d: {  	(pc) =	sbr.rel @!p0 .LBB2_4-.Ltmp2, $1  }
0x3e: {  	_ =	sdelay $0x3  }
.Ltmp3:
0x3f: {  	(pc) =	sbr.rel .LBB2_5-.Ltmp3, $2  }
0x40: {  	_ =	sdelay $0x2  }
0x41: {  	s2 =	sadd.s32 s5, s6  }
.LBB2_4:
0x42: {  	s3 =	sshll.u32 s8, $0x7  }
0x43: {  	s2 =	sadd.s32 s2, s3  }
.LBB2_5:
0x44: {  	s3 =	simm.s32 $0x0;
	s4 =	simm.s32 $0x80;
	s31 =	simm.s32 $0x3  }
0x45: {  	[hbm4b:s2+s3] =	stream.linear.scatter [tilespmem:s4], [sflag:$0x3], $0x400, $0x38;
	[tilespmem:$0x480] =	vst v63  }
0x46: {  	_ =	swait.ge [sflag:s31], $0x400  }
0x47: {  	[sflag:s31] =	ssyncset.done $0x0  }
0x48: {  	[sflag:s31] =	ssyncadd.s32 $0xFFFFFC00  }
0x49: {  	_ =	sfence.sel $0x180000  }
0x4a: {  	[bflag:$0x0] =	sbarrier.arrive $0xFFFF  }
0x4b: {  	p0 =	sne.s32 s0, $0x0;
	_ =	strace $0x90000047  }
0x4c: {  	s0 =	sadd.s32 @!p0 $0x100000, s1;
	[bflag:$0x2] =	sbarrier.arrive $0xFFFF  }
0x4d: {  	[sflag:s0] =	ssyncadd.tile.s32 @!p0 $0x1;
	_ =	shalt  }
.Lfunc_end2:
_tile_overlayer_lowered:
.L_overlay_start_2:
0x4e: {  	(tag) =	ssettag $0x2  }
0x4f: {  	s0 =	rddreg [dreg:$0x0];
	s2 =	stileid.u32  }
0x50: {  	s1 =	rddreg [dreg:$0x1];
	p0 =	sne.s32 s2, $0x0  }
0x51: {  	s3 =	rddreg [dreg:$0x2];
	[bflag:$0x3] =	sbarrier.arrive $0xFFFF;
	s2 =	simm.s32 @!p0 $0x1C03  }
0x52: {  	[timem:s3], [sflag:s2] =	dma.local @!p0 [hbm:s0], s1  }
0x53: {  	s0 =	simm.s32 @!p0 $0x3  }
0x54: {  	_ =	swait.ge @!p0 [sflag:s0], s1  }
0x55: {  	s1 =	ssub.s32 @!p0 $0x0, s1;
	[sflag:s0] =	ssyncset.done @!p0 $0x0  }
0x56: {  	[sflag:s0] =	ssyncadd.s32 @!p0 s1  }
0x57: {  	[bflag:$0x3] =	sbarrier.arrive $0xFFFF  }
0x58: {  	_ =	shalt  }

</sc_bundles>
